<compile_context>
chip_gen: v7x
topology: tpu7x:2x2x1
jax: 0.10.2.dev20260603
libtpu: 0.0.44.dev20260713+nightly
codegen_flags: <defaults>
</compile_context>

<pallas_src>
import functools

import jax
import jax.numpy as jnp
from jax import lax
from jax.experimental import pallas as pl
from jax.experimental.pallas import tpu as pltpu
from jax.experimental.pallas import tpu_sc as plsc

N_ATOMS = 500000
MAX_ELEMENT = 110
PHYS_DIM = 16
ONEHOT_DIM = 64
ATTR_DIM = PHYS_DIM + ONEHOT_DIM
FEAT_DIM = 128
PAD_ROWS = 128

NC = 2
NS = 16
NW = NC * NS

CHUNK = 128
NCHUNK = -(-N_ATOMS // CHUNK)
ITERS = -(-NCHUNK // NW)

FEAT_BLK = 5000
FEAT_GRID = N_ATOMS // FEAT_BLK


def _prep_body(phys_ref, oh_ref, w_ref, b_ref, attr_ref, feat_ref):
    attr = jnp.concatenate([phys_ref[...], oh_ref[...]], axis=1)
    attr_ref[...] = attr
    feat = lax.dot_general(attr, w_ref[...], (((1,), (1,)), ((), ())),
                           preferred_element_type=jnp.float32)
    feat_ref[...] = feat + b_ref[...]


def _feat_body(idx_ref, tab_ref, out_ref):
    idx = idx_ref[0, 0, :]
    cols = lax.broadcasted_iota(jnp.int32, (FEAT_BLK, FEAT_DIM), 1)
    onehot = (idx[:, None] == cols).astype(jnp.float32)
    out_ref[...] = jnp.dot(onehot, tab_ref[...],
                           preferred_element_type=jnp.float32)


def _sc_gather_body(idx_hbm, tab_hbm, out_hbm, idx_v, rows_v, sem):
    c = lax.axis_index("c")
    s = lax.axis_index("s")
    wid = s * NC + c

    def body(i, carry):
        cid = wid + i * NW

        @pl.when(cid < NCHUNK)
        def _():
            base = pl.multiple_of(
                jnp.minimum(cid * CHUNK, N_ATOMS - CHUNK), 8)
            pltpu.sync_copy(idx_hbm.at[pl.ds(base, CHUNK)], idx_v)
            pltpu.async_copy(tab_hbm.at[idx_v], rows_v, sem).wait()
            pltpu.sync_copy(rows_v, out_hbm.at[pl.ds(base, CHUNK)])

        return carry

    lax.fori_loop(0, ITERS, body, 0)


_sc_gather = functools.partial(
    pl.kernel,
    out_type=jax.ShapeDtypeStruct((N_ATOMS, ATTR_DIM), jnp.float32),
    mesh=plsc.VectorSubcoreMesh(core_axis_name="c", subcore_axis_name="s"),
    compiler_params=pltpu.CompilerParams(use_tc_tiling_on_sc=False),
    scratch_types=[
        pltpu.VMEM((CHUNK,), jnp.int32),
        pltpu.VMEM((CHUNK, ATTR_DIM), jnp.float32),
        pltpu.SemaphoreType.DMA,
    ],
)(_sc_gather_body)


def kernel(atom_numbers, physics_encode, onehot_table, W, b):
    pad = PAD_ROWS - MAX_ELEMENT
    phys_p = jnp.pad(physics_encode, ((0, pad), (0, 0)))
    oh_p = jnp.pad(onehot_table, ((0, pad), (0, 0)))
    idx = atom_numbers.astype(jnp.int32)

    attr_tab, feat_tab = pl.pallas_call(
        _prep_body,
        out_shape=(
            jax.ShapeDtypeStruct((PAD_ROWS, ATTR_DIM), jnp.float32),
            jax.ShapeDtypeStruct((PAD_ROWS, FEAT_DIM), jnp.float32),
        ),
    )(phys_p, oh_p, W, b.reshape(1, FEAT_DIM))

    features = pl.pallas_call(
        _feat_body,
        grid=(FEAT_GRID,),
        in_specs=[
            pl.BlockSpec((1, 1, FEAT_BLK), lambda i: (i, 0, 0)),
            pl.BlockSpec((PAD_ROWS, FEAT_DIM), lambda i: (0, 0)),
        ],
        out_specs=pl.BlockSpec((FEAT_BLK, FEAT_DIM), lambda i: (i, 0)),
        out_shape=jax.ShapeDtypeStruct((N_ATOMS, FEAT_DIM), jnp.float32),
    )(idx.reshape(FEAT_GRID, 1, FEAT_BLK), feat_tab)

    atom_attrs = _sc_gather(idx, attr_tab)
    return (atom_attrs, features)

# --- scband reference (transcript-rebuilt; emitter-appended) ---
"""Pipeline reference for scband-atom-encoding-82480551953017 (READ-ONLY COPY).

The authoritative reference and input builder live on the scoring server;
editing this copy changes nothing except your own understanding.
"""

import jax, jax.numpy as jnp
import numpy as np

N_ATOMS = 500000
MAX_ELEMENT = 110
PHYS_DIM = 16
ONEHOT_DIM = 64
ATTR_DIM = PHYS_DIM + ONEHOT_DIM
FEAT_DIM = 128


def setup_inputs(seed: int = 0) -> dict:
    key = jax.random.key(seed)
    k1, k2, k3, k4 = jax.random.split(key, 4)
    atom_numbers = jax.random.randint(k1, (N_ATOMS,), 0, MAX_ELEMENT)
    physics_encode = jax.random.normal(k2, (MAX_ELEMENT, PHYS_DIM), dtype=jnp.float32)
    onehot_table = jax.random.normal(k3, (MAX_ELEMENT, ONEHOT_DIM), dtype=jnp.float32) * 0.02
    W = jax.random.normal(k4, (FEAT_DIM, ATTR_DIM), dtype=jnp.float32) * 0.02
    b = jnp.zeros((FEAT_DIM,), dtype=jnp.float32)
    return {"atom_numbers": atom_numbers, "physics_encode": physics_encode, "onehot_table": onehot_table, "W": W, "b": b}


def reference(atom_numbers, physics_encode, onehot_table, W, b):
    # physics buffer gather: physics_encode[atom_numbers]
    physics_attrs = jnp.take(physics_encode, atom_numbers, axis=0)
    # learned onehot embedding lookup
    onehot = jnp.take(onehot_table, atom_numbers, axis=0)
    # both branches active -> concat
    atom_attrs = jnp.concatenate([physics_attrs, onehot], axis=-1)
    # run_env=True -> linear projection to features
    features = atom_attrs @ W.T + b
    return (atom_attrs, features)

if __name__ == "__main__":
    import jax
    _d = setup_inputs()
    print(jax.jit(kernel)(*tuple(_d.values())))

</pallas_src>

<mosaic_0001>
#map = affine_map<(d0, d1) -> (0)>
#map1 = affine_map<(d0, d1) -> (0, 0)>
module attributes {stable_mosaic.version = 14 : i64} {
  func.func @_sc_gather_body(%arg0: i32, %arg1: i32, %arg2: memref<500000xi32, #tpu.memory_space<hbm>>, %arg3: memref<128x80xf32, #tpu.memory_space<hbm>>, %arg4: memref<500000x80xf32, #tpu.memory_space<hbm>>, %arg5: memref<128xi32, #tpu.memory_space<vmem>>, %arg6: memref<128x80xf32, #tpu.memory_space<vmem>>, %arg7: memref<!tpu.dma_semaphore, #tpu.memory_space<semaphore_mem>>) attributes {dimension_semantics = [#tpu.dimension_semantics<core_parallel>, #tpu.dimension_semantics<subcore_parallel>], iteration_bounds = array<i64: 2, 16>, scalar_prefetch = 0 : i64, scratch_operands = 3 : i64, tpu.core_type = #tpu.core_type<sc_vector_subcore>, window_params = [{transform_indices = #map}, {transform_indices = #map1}, {transform_indices = #map1}]} {
    %mul3A = arith.constant 2 : i32
    %mul3A_0 = arith.muli %arg1, %mul3A : i32
    %add3A = arith.addi %mul3A_0, %arg0 : i32
    %scan3A = arith.constant 0 : i32
    %scan3A_1 = arith.constant 0 : i32
    %scan3A_2 = arith.constant 123 : i32
    %scan3A_3 = arith.addi %scan3A_1, %scan3A_2 : i32
    %scan3A_4 = arith.constant 1 : i32
    scf.for %scan3A_6 = %scan3A_1 to %scan3A_3 step %scan3A_4  : i32 {
      %mul3A_7 = arith.constant 32 : i32
      %mul3A_8 = arith.muli %scan3A_6, %mul3A_7 : i32
      %add3A_9 = arith.addi %add3A, %mul3A_8 : i32
      %lt3A = arith.constant 3907 : i32
      %lt3A_10 = arith.cmpi slt, %add3A_9, %lt3A : i32
      %convert_element_type3A = arith.extui %lt3A_10 : i1 to i32
      %cond3A = arith.constant 0 : i32
      %cond3A_11 = arith.cmpi ne, %convert_element_type3A, %cond3A : i32
      scf.if %cond3A_11 {
        %mul3A_12 = arith.constant 128 : i32
        %mul3A_13 = arith.muli %add3A_9, %mul3A_12 : i32
        %min3A = arith.constant 499872 : i32
        %min3A_14 = arith.minsi %mul3A_13, %min3A : i32
        %multiple_of3A = tpu.assume_multiple %min3A_14, 8 : i32
        "tpu.region"() ({
          %run_scoped3A = tpu.sem_alloc : memref<!tpu.dma_semaphore, #tpu.memory_space<semaphore_mem>>
          %dma_start3A_19 = tpu.memref_slice %arg2[%multiple_of3A] : memref<500000xi32, #tpu.memory_space<hbm>> -> memref<128xi32, #tpu.memory_space<hbm>>
          %dma_start3A_20 = tpu.memref_slice %arg2[%multiple_of3A] : memref<500000xi32, #tpu.memory_space<hbm>> -> memref<128xi32, #tpu.memory_space<hbm>>
          tpu.enqueue_dma source(%dma_start3A_20 : memref<128xi32, #tpu.memory_space<hbm>>) target(%arg5 : memref<128xi32, #tpu.memory_space<vmem>>) target_semaphore(%run_scoped3A : memref<!tpu.dma_semaphore, #tpu.memory_space<semaphore_mem>>)
          %dma_wait3A_21 = tpu.memref_slice %arg2[%multiple_of3A] : memref<500000xi32, #tpu.memory_space<hbm>> -> memref<128xi32, #tpu.memory_space<hbm>>
          %dma_wait3A_22 = tpu.memref_slice %arg2[%multiple_of3A] : memref<500000xi32, #tpu.memory_space<hbm>> -> memref<128xi32, #tpu.memory_space<hbm>>
          tpu.wait_dma2 semaphore(%run_scoped3A : memref<!tpu.dma_semaphore, #tpu.memory_space<semaphore_mem>>) src(%dma_wait3A_22 : memref<128xi32, #tpu.memory_space<hbm>>) dst(%arg5 : memref<128xi32, #tpu.memory_space<vmem>>)
          tpu.yield
        }) : () -> ()
        %dma_start3A = arith.constant 0 : i32
        %dma_start3A_15 = arith.constant 0 : i32
        %dma_start3A_16 = tpu.memref_slice %arg3[%dma_start3A, %dma_start3A_15] : memref<128x80xf32, #tpu.memory_space<hbm>> -> memref<128x80xf32, #tpu.memory_space<hbm>>
        tpu.enqueue_indirect_dma source(%dma_start3A_16 : memref<128x80xf32, #tpu.memory_space<hbm>>) target(%arg6 : memref<128x80xf32, #tpu.memory_space<vmem>>) offsets(%arg5 : memref<128xi32, #tpu.memory_space<vmem>>) semaphore(%arg7 : memref<!tpu.dma_semaphore, #tpu.memory_space<semaphore_mem>>)
        %dma_wait3A = arith.constant 0 : i32
        %dma_wait3A_17 = arith.constant 0 : i32
        %dma_wait3A_18 = tpu.memref_slice %arg3[%dma_wait3A, %dma_wait3A_17] : memref<128x80xf32, #tpu.memory_space<hbm>> -> memref<128x80xf32, #tpu.memory_space<hbm>>
        tpu.wait_indirect_dma semaphore(%arg7 : memref<!tpu.dma_semaphore, #tpu.memory_space<semaphore_mem>>) src(%dma_wait3A_18 : memref<128x80xf32, #tpu.memory_space<hbm>>) dst(%arg6 : memref<128x80xf32, #tpu.memory_space<vmem>>)
        "tpu.region"() ({
          %run_scoped3A = tpu.sem_alloc : memref<!tpu.dma_semaphore, #tpu.memory_space<semaphore_mem>>
          %dma_start3A_19 = arith.constant 0 : i32
          %dma_start3A_20 = tpu.memref_slice %arg4[%multiple_of3A, %dma_start3A_19] : memref<500000x80xf32, #tpu.memory_space<hbm>> -> memref<128x80xf32, #tpu.memory_space<hbm>>
          %dma_start3A_21 = arith.constant 0 : i32
          %dma_start3A_22 = tpu.memref_slice %arg4[%multiple_of3A, %dma_start3A_21] : memref<500000x80xf32, #tpu.memory_space<hbm>> -> memref<128x80xf32, #tpu.memory_space<hbm>>
          tpu.enqueue_dma source(%arg6 : memref<128x80xf32, #tpu.memory_space<vmem>>) target(%dma_start3A_22 : memref<128x80xf32, #tpu.memory_space<hbm>>) target_semaphore(%run_scoped3A : memref<!tpu.dma_semaphore, #tpu.memory_space<semaphore_mem>>)
          %dma_wait3A_23 = arith.constant 0 : i32
          %dma_wait3A_24 = tpu.memref_slice %arg4[%multiple_of3A, %dma_wait3A_23] : memref<500000x80xf32, #tpu.memory_space<hbm>> -> memref<128x80xf32, #tpu.memory_space<hbm>>
          %dma_wait3A_25 = arith.constant 0 : i32
          %dma_wait3A_26 = tpu.memref_slice %arg4[%multiple_of3A, %dma_wait3A_25] : memref<500000x80xf32, #tpu.memory_space<hbm>> -> memref<128x80xf32, #tpu.memory_space<hbm>>
          tpu.wait_dma2 semaphore(%run_scoped3A : memref<!tpu.dma_semaphore, #tpu.memory_space<semaphore_mem>>) src(%arg6 : memref<128x80xf32, #tpu.memory_space<vmem>>) dst(%dma_wait3A_26 : memref<128x80xf32, #tpu.memory_space<hbm>>)
          tpu.yield
        }) : () -> ()
      } else {
      }
    }
    %scan3A_5 = arith.constant 123 : i32
    return
  }
}

module attributes {stable_mosaic.version = 14 : i64} {
  func.func @_prep_body(%arg0: memref<128x16xf32, #tpu.memory_space<vmem>>, %arg1: memref<128x64xf32, #tpu.memory_space<vmem>>, %arg2: memref<128x80xf32, #tpu.memory_space<vmem>>, %arg3: memref<1x128xf32, #tpu.memory_space<vmem>>, %arg4: memref<128x80xf32, #tpu.memory_space<vmem>>, %arg5: memref<128x128xf32, #tpu.memory_space<vmem>>) attributes {dimension_semantics = [], scalar_prefetch = 0 : i64, scratch_operands = 0 : i64, tpu.core_type = #tpu.core_type<tc>} {
    %get3A = arith.constant 0 : index
    %get3A_0 = arith.constant 0 : index
    %get3A_1 = vector.load %arg0[%get3A, %get3A_0] : memref<128x16xf32, #tpu.memory_space<vmem>>, vector<128x16xf32>
    %get3A_2 = arith.constant 0 : index
    %get3A_3 = arith.constant 0 : index
    %get3A_4 = vector.load %arg1[%get3A_2, %get3A_3] : memref<128x64xf32, #tpu.memory_space<vmem>>, vector<128x64xf32>
    %concatenate3A = tpu.concatenate %get3A_1, %get3A_4 in 1 : vector<128x16xf32>, vector<128x64xf32> -> vector<128x80xf32>
    %swap3A = arith.constant 0 : index
    %swap3A_5 = arith.constant 0 : index
    %swap3A_6 = vector.load %arg4[%swap3A, %swap3A_5] : memref<128x80xf32, #tpu.memory_space<vmem>>, vector<128x80xf32>
    tpu.vector_store %arg4[%swap3A, %swap3A_5], %concatenate3A {strides = array<i32>} : memref<128x80xf32, #tpu.memory_space<vmem>>, vector<128x80xf32>,
    %get3A_7 = arith.constant 0 : index
    %get3A_8 = arith.constant 0 : index
    %get3A_9 = vector.load %arg2[%get3A_7, %get3A_8] : memref<128x80xf32, #tpu.memory_space<vmem>>, vector<128x80xf32>
    %dot_general3A = arith.constant dense<0.000000e+00> : vector<128x128xf32>
    %dot_general3A_10 = tpu.matmul %concatenate3A, %get3A_9, %dot_general3A {dimension_numbers = #tpu.dot_dimension_numbers<[1], [1], [0], [0], [0, 0, 1, 0], [], []>, transpose_lhs_hint = false} : vector<128x80xf32>, vector<128x80xf32>, vector<128x128xf32> -> vector<128x128xf32>
    %get3A_11 = arith.constant 0 : index
    %get3A_12 = arith.constant 0 : index
    %get3A_13 = vector.load %arg3[%get3A_11, %get3A_12] : memref<1x128xf32, #tpu.memory_space<vmem>>, vector<1x128xf32>
    %add3A = vector.broadcast %get3A_13 : vector<1x128xf32> to vector<128x128xf32>
    %add3A_14 = arith.addf %dot_general3A_10, %add3A : vector<128x128xf32>
    %swap3A_15 = arith.constant 0 : index
    %swap3A_16 = arith.constant 0 : index
    %swap3A_17 = vector.load %arg5[%swap3A_15, %swap3A_16] : memref<128x128xf32, #tpu.memory_space<vmem>>, vector<128x128xf32>
    tpu.vector_store %arg5[%swap3A_15, %swap3A_16], %add3A_14 {strides = array<i32>} : memref<128x128xf32, #tpu.memory_space<vmem>>, vector<128x128xf32>,
    return
  }
}

module attributes {stable_mosaic.version = 14 : i64} {
  func.func @_feat_body(%arg0: i32, %arg1: memref<1x1x5000xi32, #tpu.memory_space<vmem>>, %arg2: memref<128x128xf32, #tpu.memory_space<vmem>>, %arg3: memref<5000x128xf32, #tpu.memory_space<vmem>>) attributes {dimension_semantics = [#tpu.dimension_semantics<arbitrary>], iteration_bounds = array<i64: 100>, scalar_prefetch = 0 : i64, scratch_operands = 0 : i64, tpu.core_type = #tpu.core_type<tc>, window_params = [{transform_indices = @transform_0, window_bounds = array<i64: 1, 1, 5000>}, {pipeline_mode = #tpu.pipeline_mode<synchronous>, transform_indices = @transform_1, window_bounds = array<i64: 128, 128>}, {transform_indices = @transform_2, window_bounds = array<i64: 5000, 128>}]} {
    %get3A = arith.constant 0 : index
    %get3A_0 = arith.constant 0 : index
    %get3A_1 = arith.constant 0 : index
    %get3A_2 = vector.load %arg1[%get3A, %get3A_0, %get3A_1] : memref<1x1x5000xi32, #tpu.memory_space<vmem>>, vector<1x1x5000xi32>
    %get3A_3 = vector.shape_cast %get3A_2 : vector<1x1x5000xi32> to vector<5000xi32>
    %iota3A = tpu.iota {dimensions = array<i32: 1>} : vector<5000x128xi32>
    %broadcast_in_dim3A = vector.shape_cast %get3A_3 : vector<5000xi32> to vector<5000x1xi32>
    %eq3A = vector.broadcast %broadcast_in_dim3A : vector<5000x1xi32> to vector<5000x128xi32>
    %eq3A_4 = arith.cmpi eq, %eq3A, %iota3A : vector<5000x128xi32>
    %convert_element_type3A = arith.extui %eq3A_4 : vector<5000x128xi1> to vector<5000x128xi32>
    %convert_element_type3A_5 = arith.sitofp %convert_element_type3A : vector<5000x128xi32> to vector<5000x128xf32>
    %get3A_6 = arith.constant 0 : index
    %get3A_7 = arith.constant 0 : index
    %get3A_8 = vector.load %arg2[%get3A_6, %get3A_7] : memref<128x128xf32, #tpu.memory_space<vmem>>, vector<128x128xf32>
    %dot_general3A = arith.constant dense<0.000000e+00> : vector<5000x128xf32>
    %dot_general3A_9 = tpu.matmul %convert_element_type3A_5, %get3A_8, %dot_general3A {dimension_numbers = #tpu.dot_dimension_numbers<[1], [0], [0], [1], [0, 0, 1, 1], [], []>, transpose_lhs_hint = false} : vector<5000x128xf32>, vector<128x128xf32>, vector<5000x128xf32> -> vector<5000x128xf32>
    %swap3A = arith.constant 0 : index
    %swap3A_10 = arith.constant 0 : index
    %swap3A_11 = vector.load %arg3[%swap3A, %swap3A_10] : memref<5000x128xf32, #tpu.memory_space<vmem>>, vector<5000x128xf32>
    tpu.vector_store %arg3[%swap3A, %swap3A_10], %dot_general3A_9 {strides = array<i32>} : memref<5000x128xf32, #tpu.memory_space<vmem>>, vector<5000x128xf32>,
    return
  }
  func.func @transform_0(%arg0: i32) -> (i32, i32, i32) {
    %c0_i32 = arith.constant 0 : i32
    %c0_i32_0 = arith.constant 0 : i32
    %c0_i32_1 = arith.constant 0 : i32
    return %arg0, %c0_i32, %c0_i32_0 : i32, i32, i32
  }
  func.func @transform_1(%arg0: i32) -> (i32, i32) {
    %c0_i32 = arith.constant 0 : i32
    %c0_i32_0 = arith.constant 0 : i32
    %c0_i32_1 = arith.constant 0 : i32
    return %c0_i32, %c0_i32_0 : i32, i32
  }
  func.func @transform_2(%arg0: i32) -> (i32, i32) {
    %c0_i32 = arith.constant 0 : i32
    %c0_i32_0 = arith.constant 0 : i32
    return %arg0, %c0_i32 : i32, i32
  }
}

</mosaic_0001>

<sc_bundles>
// kernel: kernel.5.cloned.1.call-start
scs
__scs_entry_jumppad:
0x0: {  	(pc) =	sbr.rel $0x88, $3  }
0x1: {  	(tag) =	ssettag $0x0;
	lr =	simm.s32 $0x1  }
0x2: {  	[smem:$0x3F9C] =	sst lr;
	_ =	strace $0xD0000000  }
0x3: {  	_ = 	snop  }
0x4: {  	_ = 	snop  }
0x5: {  	_ = 	snop  }
0x6: {  	_ = 	snop  }
0x7: {  	_ = 	snop  }
__scs_overlays_trampoline_lowered:
0x8: {  	[smem:$0x3FAB] =	sst s0  }
0x9: {  	[smem:$0x3FAC] =	sst s1  }
0xa: {  	[smem:$0x3FAD] =	sst s2  }
0xb: {  	[smem:$0x3FAE] =	sst s3  }
0xc: {  	[smem:$0x3FAF] =	sst s4  }
0xd: {  	[smem:$0x3FB0] =	sst s5  }
0xe: {  	[smem:$0x3FB1] =	sst s6  }
0xf: {  	[smem:$0x3FB2] =	sst s7  }
0x10: {  	[smem:$0x3FB3] =	sst s8  }
0x11: {  	[smem:$0x3FB4] =	sst s9;
	s0 =	simm.s32 @!p0 $0x0  }
0x12: {  	s1 =	sld [smem:$0x3F9A];
	s0 =	simm.s32 @p0 $0x1  }
0x13: {  	[smem:$0x3FB5] =	sst s0;
	s0 =	simm.s32 @!p1 $0x0  }
0x14: {  	s2 =	sld [smem:$0x3F99];
	s0 =	simm.s32 @p1 $0x1  }
0x15: {  	[smem:$0x3FB6] =	sst s0;
	s0 =	simm.s32 @!p2 $0x0  }
0x16: {  	s3 =	sld [smem:$0x3FDB];
	s0 =	simm.s32 @p2 $0x1  }
0x17: {  	s4 =	simm.s32 $0x1BF5;
	[smem:$0x3FB8] =	sst s0  }
0x18: {  	s0 =	sld [smem:$0x3F9B];
	_ =	swait.ge [sflag:s4], $0x0  }
0x19: {  	s7 =	sld [smem:$0x3F9C]  }
0x1a: {  	s8 =	sadd.s32 $0xFFFFE003, lr  }
0x1b: {  	s9 =	sadd.s32 $0xFFFFFEF7, lr;
	s5 =	simm.s32 $0xFFFFFFFF;
	p2 =	slt.u32 s8, $0xFFFFF086  }
0x1c: {  	p1 =	slt.u32 s9, $0xF7A;
	s5 =	simm.s32 @!p2 $0x0  }
0x1d: {  	s5 =	simm.s32 @p1 $0x1;
	p0 =	seq.s32 s7, s2  }
0x1e: {  	s7 =	smul.u32 @!p0 $0xF7A, s2;
	p2 =	seq.s32 @!p0 s5, $0x0  }
0x1f: {  	s9 =	smul.u32 $0xF7A, s1;
	s8 =	simm.s32 @!p0 $0x1BF5;
	p2 =	por !p2, p0  }
0x20: {  	[sflag:s8] =	ssyncset.s32 @!p0 $0xFFFFF086;
	s6 =	sadd.s32 @!p0 s3, s7;
	s7 =	simm.s32 @!p0 $0x108  }
0x21: {  	s3 =	sadd.s32 s3, s9;
	s6 =	sadd.s32 @!p0 $0x88, s6;
	s7 =	simm.s32 @p2 $0x1082  }
0x22: {  	[simem:s7], [sflag:s8] =	dma.local @!p0 [hbm:s6], $0xF7A  }
0x23: {  	s9 =	sor.u32 $0xD0000000, s2;
	s6 =	simm.s32 $0x108;
	_ =	swait.ge @!p0 [sflag:s8], $0x0  }
0x24: {  	s3 =	sadd.s32 $0x88, s3;
	s6 =	simm.s32 @!p1 $0x1082;
	[sflag:s4] =	ssyncset.s32 $0xFFFFF086  }
0x25: {  	[simem:s6], [sflag:s4] =	dma.local [hbm:s3], $0xF7A  }
0x26: {  	[smem:$0x3F9C] =	sst s1;
	(tag) =	ssettag s2;
	_ =	strace s9  }
0x27: {  	s1 =	sld [smem:$0x3FAC]  }
0x28: {  	s2 =	sld [smem:$0x3FAD]  }
0x29: {  	s4 =	sld [smem:$0x3FAF]  }
0x2a: {  	p0 =	seq.s32 s5, $0x0;
	s5 =	sld [smem:$0x3FB0]  }
0x2b: {  	s6 =	sld [smem:$0x3FB1]  }
0x2c: {  	s7 =	sld [smem:$0x3FB2]  }
0x2d: {  	s3 =	simm.s32 $0x108;
	s8 =	sld [smem:$0x3FB3]  }
0x2e: {  	s3 =	simm.s32 @!p0 $0x1082;
	s9 =	sld [smem:$0x3FB4]  }
0x2f: {  	lr =	sadd.s32 s0, s3;
	s0 =	sld [smem:$0x3FAB]  }
0x30: {  	s3 =	sld [smem:$0x3FAE]  }
0x31: {  	[smem:$0x3FB7] =	sst s10  }
0x32: {  	s10 =	sld [smem:$0x3FB5];
	_ =	sdelay $0x3  }
0x33: {  	p0 =	seq.s32 s10, $0x1;
	s10 =	sld [smem:$0x3FB7];
	_ =	sdelay $0x3  }
0x34: {  	[smem:$0x3FB7] =	sst s10  }
0x35: {  	s10 =	sld [smem:$0x3FB6];
	_ =	sdelay $0x3  }
0x36: {  	p1 =	seq.s32 s10, $0x1;
	s10 =	sld [smem:$0x3FB7];
	_ =	sdelay $0x3  }
0x37: {  	[smem:$0x3FB7] =	sst s10  }
0x38: {  	s10 =	sld [smem:$0x3FB8]  }
0x39: {  	_ = 	snop;
	(pc) =	sbr.ind lr, $3  }
0x3a: {  	_ = 	snop  }
0x3b: {  	_ = 	snop  }
0x3c: {  	p2 =	seq.s32 s10, $0x1;
	s10 =	sld [smem:$0x3FB7]  }
0x3d: {  	_ =	shalt  }
0x3e: {  	_ =	shalt  }
0x3f: {  	_ =	shalt  }
0x40: {  	_ =	shalt  }
0x41: {  	_ =	shalt  }
0x42: {  	_ =	shalt  }
0x43: {  	_ =	shalt  }
0x44: {  	_ =	shalt  }
0x45: {  	_ =	shalt  }
0x46: {  	_ =	shalt  }
0x47: {  	_ =	shalt  }
0x48: {  	_ =	shalt  }
0x49: {  	_ =	shalt  }
0x4a: {  	_ =	shalt  }
0x4b: {  	_ =	shalt  }
0x4c: {  	_ =	shalt  }
0x4d: {  	_ =	shalt  }
0x4e: {  	_ =	shalt  }
0x4f: {  	_ =	shalt  }
0x50: {  	_ =	shalt  }
0x51: {  	_ =	shalt  }
0x52: {  	_ =	shalt  }
0x53: {  	_ =	shalt  }
0x54: {  	_ =	shalt  }
0x55: {  	_ =	shalt  }
0x56: {  	_ =	shalt  }
0x57: {  	_ =	shalt  }
0x58: {  	_ =	shalt  }
0x59: {  	_ =	shalt  }
0x5a: {  	_ =	shalt  }
0x5b: {  	_ =	shalt  }
0x5c: {  	_ =	shalt  }
0x5d: {  	_ =	shalt  }
0x5e: {  	_ =	shalt  }
0x5f: {  	_ =	shalt  }
0x60: {  	_ =	shalt  }
0x61: {  	_ =	shalt  }
0x62: {  	_ =	shalt  }
0x63: {  	_ =	shalt  }
0x64: {  	_ =	shalt  }
0x65: {  	_ =	shalt  }
0x66: {  	_ =	shalt  }
0x67: {  	_ =	shalt  }
0x68: {  	_ =	shalt  }
0x69: {  	_ =	shalt  }
0x6a: {  	_ =	shalt  }
0x6b: {  	_ =	shalt  }
0x6c: {  	_ =	shalt  }
0x6d: {  	_ =	shalt  }
0x6e: {  	_ =	shalt  }
0x6f: {  	_ =	shalt  }
0x70: {  	_ =	shalt  }
0x71: {  	_ =	shalt  }
0x72: {  	_ =	shalt  }
0x73: {  	_ =	shalt  }
0x74: {  	_ =	shalt  }
0x75: {  	_ =	shalt  }
0x76: {  	_ =	shalt  }
0x77: {  	_ =	shalt  }
0x78: {  	_ =	shalt  }
0x79: {  	_ =	shalt  }
0x7a: {  	_ =	shalt  }
0x7b: {  	_ =	shalt  }
0x7c: {  	_ =	shalt  }
0x7d: {  	_ =	shalt  }
0x7e: {  	_ =	shalt  }
0x7f: {  	_ =	shalt  }
0x80: {  	_ =	shalt  }
0x81: {  	_ =	shalt  }
0x82: {  	_ =	shalt  }
0x83: {  	_ =	shalt  }
0x84: {  	_ =	shalt  }
0x85: {  	_ =	shalt  }
0x86: {  	_ =	shalt  }
0x87: {  	_ =	shalt  }
.Lfunc_end0:
.L_simem_size_0:
called_computation.1_lowered:
.L_overlay_start_0:
0x88: {  	s2 =	sld [smem:$0x3FD9]  }
0x89: {  	s3 =	sld [smem:$0x3FFE];
	_ =	sdelay $0x1  }
0x8a: {  	s1 =	srdreg.scid  }
0x8b: {  	s0 =	sand.u32 $0x1, s1  }
0x8c: {  	s14 =	sshll.u32 s0, $0xA;
	s2 =	sadd.s32 s3, s2  }
0x8d: {  	s2 =	sadd.s32 s2, s14  }
0x8e: {  	[smem:$0x3FC3] =	sst s2  }
0x8f: {  	_ = 	snop  }
0x90: {  	s2 =	sld [smem:$0x3FD0];
	_ =	sdelay $0x2  }
0x91: {  	s4 =	simm.s32 $0xA;
	s5 =	simm.s32 $0x10;
	s15 =	sld [smem:$0x3FC9]  }
0x92: {  	[smem:s5], [sflag:s4] =	dma.local [hbm:s2], $0x1  }
0x93: {  	_ =	swait.eq [sflag:s4], $0x1  }
0x94: {  	[sflag:s4] =	ssyncset.done $0x0  }
0x95: {  	[sflag:s4] =	ssyncadd.s32 $0xFFFFFFFF  }
0x96: {  	s16 =	sld [smem:$0x10];
	(tm) =	ssettm $0x1  }
0x97: {  	s17 =	sld [smem:$0x3FFB];
	_ =	sdelay $0x3  }
0x98: {  	_ =	strace s17  }
0x99: {  	s4 =	sld [smem:$0x3FFC];
	_ =	sdelay $0x3  }
0x9a: {  	_ =	strace s4  }
0x9b: {  	s4 =	sld [smem:$0x3FFD];
	_ =	sdelay $0x3  }
0x9c: {  	_ =	strace s4  }
0x9d: {  	_ =	strace $0x8FFFFFFF  }
0x9e: {  	s18 =	sld [smem:$0x3FDB];
	_ =	sdelay $0x1  }
0x9f: {  	s19 =	simm.s32 $_scs_section_size  }
0xa0: {  	s6 =	simm.s32 $_size__tile_overlayer_lowered;
	s7 =	simm.s32 $_tile_overlayer_lowered  }
0xa1: {  	s22 =	simm.s32 $0x1BFF;
	s21 =	sshll.u32 s7, $0x1;
	s4 =	sadd.s32 s19, s18  }
0xa2: {  	s8 =	simm.s32 $0x0;
	s20 =	sshll.u32 s6, $0x1;
	s6 =	sadd.s32 s21, s4  }
0xa3: {  	[timem:s8], [sflag:s22] =	dma.local [hbm:s6], s20  }
0xa4: {  	_ =	swait.ge [sflag:s22], s20  }
0xa5: {  	s5 =	ssub.s32 $0x0, s20;
	[sflag:s22] =	ssyncset.done $0x0  }
0xa6: {  	[sflag:s22] =	ssyncadd.s32 s5;
	_ =	sdelay $0x1  }
0xa7: {  	s23 =	simm.s32 $0x1B8B  }
0xa8: {  	_ =	swait.ge [sflag:s23], $0x1  }
0xa9: {  	[sflag:s23] =	ssyncset.done $0x0  }
0xaa: {  	s25 =	simm.s32 $0x1B8E;
	s24 =	sld [smem:$0x3FFE];
	[sflag:s23] =	ssyncadd.s32 $0xFFFFFFFF  }
0xab: {  	s26 =	simm.s32 $execute0_lowered;
	[smem:$0x3FD2] =	sst s25  }
0xac: {  	s6 =	sshll.u32 s26, $0x1;
	_ =	strace $0x80000046;
	[dreg:$0x1] =	wrdreg $0xFFFFFFFF  }
0xad: {  	s28 =	simm.s32 $_size_execute0_lowered;
	s4 =	sadd.s32 s4, s6;
	[dreg:$0x0] =	wrdreg $0x0  }
0xae: {  	s6 =	sshll.u32 s28, $0x1;
	[dreg:$0x2] =	wrdreg s4  }
0xaf: {  	[dreg:$0x3] =	wrdreg s6  }
0xb0: {  	[dreg:$0x4] =	wrdreg $0xC0  }
0xb1: {  	_ =	task [dreg:s8], $0x5FFFF  }
0xb2: {  	[dreg:$0x1] =	wrdreg $0xFFFFFFFF  }
0xb3: {  	[dreg:$0x0] =	wrdreg $0x60  }
0xb4: {  	[dreg:$0x2] =	wrdreg s15  }
0xb5: {  	[dreg:$0x3] =	wrdreg s24  }
0xb6: {  	[dreg:$0x4] =	wrdreg s16  }
0xb7: {  	[dreg:$0x5] =	wrdreg $0x9  }
0xb8: {  	_ =	task.clear_ibuf [dreg:s8], $0x6FFFF;
	_ =	strace $0x90000046  }
0xb9: {  	s29 =	simm.s32 $0x9;
	_ =	strace $0x80000048  }
0xba: {  	_ =	swait.ge [sflag:s29], $0x1  }
0xbb: {  	[sflag:s29] =	ssyncadd.s32 $0xFFFFFFFF  }
0xbc: {  	_ =	strace $0x90000048  }
0xbd: {  	_ =	sfence  }
0xbe: {  	s30 =	sld [smem:$0x0];
	_ =	sdelay $0x2  }
0xbf: {  	s31 =	sshll.u32 s1, $0xD;
	s1 =	sshrl.u32 s1, $0x2  }
0xc0: {  	s3 =	sand.u32 $0x4000, s31;
	s1 =	sadd.s32 s1, s30  }
0xc1: {  	s0 =	sor.u32 s3, s0;
	s1 =	sshll.u32 s1, $0x11  }
0xc2: {  	s0 =	sor.u32 s1, s0  }
0xc3: {  	s0 =	sadd.s32 $0x8F2B, s0  }
0xc4: {  	[sflag:s0] =	ssyncadd.remote.s32 $0x1  }
0xc5: {  	_ =	sfence.sel $0xFFFF  }
0xc6: {  	[dreg:$0x0] =	wrdreg $0xFFFFFFFF;
	(pc) =	sbr.abs _section_cstart, $3  }
0xc7: {  	[dreg:$0x1] =	wrdreg $0xFFFFFFFF  }
0xc8: {  	_ =	task.clear_ibuf [dreg:s8], $0x2FFFF;
	_ =	strace $0x9FFFFFFF  }
0xc9: {  	(tm) =	ssettm $0x7FFFFFFF  }
tec
execute0_lowered:
.L_overlay_start_1:
0x0: {  	(tag) =	ssettag $0x1  }
0x1: {  	s1 =	rddreg [dreg:$0x0]  }
0x2: {  	s4 =	rddreg [dreg:$0x1]  }
0x3: {  	s2 =	rddreg [dreg:$0x2]  }
0x4: {  	s5 =	srdreg.scid;
	s0 =	rddreg [dreg:$0x3];
	s3 =	simm.s32 $0x0  }
0x5: {  	s8 =	sand.u32 $0x1, s5;
	[smem:$0x7FF] =	sst s3  }
0x6: {  	s5 =	sadd.s32 $0x1200, s4;
	s4 =	stileid.u32;
	s6 =	ssub.s32 $0x2, s8  }
0x7: {  	_ =	strace $0x80000047;
	s9 =	sshll.u32 s4, $0x1;
	s7 =	sshrl.u32 s6, $0x1  }
0x8: {  	s31 =	sshll.u32 s4, $0x8;
	s10 =	sshll.u32 s8, $0x7;
	s6 =	ssub.s32 s6, s7  }
0x9: {  	s8 =	sor.u32 s8, s9;
	s7 =	sor.u32 s10, s31;
	s6 =	smax.u32 s6, $0x1  }
.LBB2_1:
0xa: {  	s9 =	sadd.s32 $0x0, s8  }
0xb: {  	p0 =	sgt.u32 s9, $0xF42  }
0xc: {  	s9 =	smin.u32 @!p0 s7, $0x7A0A0  }
0xd: {  	s10 =	sshrl.u32 @!p0 s9, $0x3;
	p0 =	por p0, p0  }
0xe: {  	s10 =	sadd.s32 @!p0 s1, s10;
	s11 =	simm.s32 @!p0 $0x0;
	s12 =	simm.s32 @!p0 $0x3  }
0xf: {  	[tilespmem:s11], [sflag:$0x3] =	stream.linear.gather @!p0 [hbm4b:s10+s11], $0x80, $0x38;
	[tilespmem:$0x2880] =	vst v63  }
0x10: {  	_ =	swait.ge @!p0 [sflag:s12], $0x80  }
0x11: {  	[sflag:s12] =	ssyncset.done @!p0 $0x0  }
0x12: {  	s13 =	simm.s32 @!p0 $0x1;
	s10 =	simm.s32 @!p0 $0x80;
	[sflag:s12] =	ssyncadd.s32 @!p0 $0xFFFFFF80  }
0x13: {  	[tilespmem:s10], [sflag:$0x1] =	stream.indirect.gather @!p0 [hbm4b:s5+s10], $0x50, s11, s10, $0xb8;
	[tilespmem:$0x2880] =	vst v63  }
0x14: {  	s9 =	smul.u32 @!p0 $0xA, s9;
	_ =	swait.ge @!p0 [sflag:s13], $0x2800  }
0x15: {  	s14 =	sadd.s32 $0x20, s8;
	[sflag:s13] =	ssyncset.done @!p0 $0x0  }
0x16: {  	s9 =	sadd.s32 @!p0 s2, s9;
	s12 =	simm.s32 @!p0 $0x2;
	[sflag:s13] =	ssyncadd.s32 @!p0 $0xFFFFD800  }
0x17: {  	[hbm4b:s9+s11] =	stream.linear.scatter @!p0 [tilespmem:s10], [sflag:$0x2], $0x2800, $0x38;
	[tilespmem:$0x2880] =	vst v63  }
0x18: {  	p2 =	sgt.u32 s14, $0xF42;
	s9 =	sadd.s32 $0x1000, s7;
	_ =	swait.ge @!p0 [sflag:s12], $0x2800  }
0x19: {  	s10 =	simm.s32 $0x40;
	s11 =	smin.u32 @!p2 s9, $0x7A0A0;
	[sflag:s12] =	ssyncset.done @!p0 $0x0  }
.LBB2_2:
0x1a: {  	s13 =	sshrl.u32 @!p2 s11, $0x3;
	[sflag:s12] =	ssyncadd.s32 @!p0 $0xFFFFD800  }
0x1b: {  	s14 =	smov.u32 s10;
	s10 =	sadd.s32 $0x20, s10;
	p0 =	por p2, p2  }
0x1c: {  	s12 =	sadd.s32 @!p0 s1, s13;
	s13 =	simm.s32 @!p0 $0x0;
	s15 =	simm.s32 @!p0 $0x3  }
0x1d: {  	[tilespmem:s13], [sflag:$0x3] =	stream.linear.gather @!p0 [hbm4b:s12+s13], $0x80, $0x38;
	[tilespmem:$0x2880] =	vst v63  }
0x1e: {  	p1 =	sne.s32 s10, $0xF60;
	_ =	swait.ge @!p0 [sflag:s15], $0x80  }
0x1f: {  	[sflag:s15] =	ssyncset.done @!p0 $0x0  }
0x20: {  	s16 =	simm.s32 @!p0 $0x1;
	[sflag:s15] =	ssyncadd.s32 @!p0 $0xFFFFFF80;
	s15 =	simm.s32 @!p0 $0x80  }
0x21: {  	[tilespmem:s15], [sflag:$0x1] =	stream.indirect.gather @!p0 [hbm4b:s5+s15], $0x50, s13, s15, $0xb8;
	[tilespmem:$0x2880] =	vst v63  }
0x22: {  	s11 =	smul.u32 @!p0 $0xA, s11;
	_ =	swait.ge @!p0 [sflag:s16], $0x2800  }
.Ltmp0:
0x23: {  	s12 =	simm.s32 @!p0 $0x2;
	[sflag:s16] =	ssyncset.done @!p0 $0x0;
	(pc) =	sbr.rel @p1 .LBB2_2-.Ltmp0, $4  }
0x24: {  	s14 =	sadd.s32 s14, s8;
	s11 =	sadd.s32 @!p0 s2, s11;
	[sflag:s16] =	ssyncadd.s32 @!p0 $0xFFFFD800  }
0x25: {  	[hbm4b:s11+s13] =	stream.linear.scatter @!p0 [tilespmem:s15], [sflag:$0x2], $0x2800, $0x38;
	[tilespmem:$0x2880] =	vst v63  }
0x26: {  	s9 =	sadd.s32 $0x1000, s9;
	p2 =	sgt.u32 s14, $0xF42;
	_ =	swait.ge @!p0 [sflag:s12], $0x2800  }
0x27: {  	s11 =	smin.u32 @!p2 s9, $0x7A0A0;
	[sflag:s12] =	ssyncset.done @!p0 $0x0  }
0x28: {  	s9 =	sshrl.u32 @!p2 s11, $0x3;
	[sflag:s12] =	ssyncadd.s32 @!p0 $0xFFFFD800;
	p0 =	por p2, p2  }
0x29: {  	s9 =	sadd.s32 @!p0 s1, s9;
	s10 =	simm.s32 @!p0 $0x0;
	s12 =	simm.s32 @!p0 $0x3  }
0x2a: {  	[tilespmem:s10], [sflag:$0x3] =	stream.linear.gather @!p0 [hbm4b:s9+s10], $0x80, $0x38;
	[tilespmem:$0x2880] =	vst v63  }
0x2b: {  	_ =	swait.ge @!p0 [sflag:s12], $0x80  }
0x2c: {  	[sflag:s12] =	ssyncset.done @!p0 $0x0  }
0x2d: {  	s9 =	simm.s32 @!p0 $0x80;
	[sflag:s12] =	ssyncadd.s32 @!p0 $0xFFFFFF80;
	s12 =	simm.s32 @!p0 $0x1  }
0x2e: {  	[tilespmem:s9], [sflag:$0x1] =	stream.indirect.gather @!p0 [hbm4b:s5+s9], $0x50, s10, s9, $0xb8;
	[tilespmem:$0x2880] =	vst v63  }
0x2f: {  	s3 =	sadd.s32 $0x1, s3;
	s11 =	smul.u32 @!p0 $0xA, s11;
	_ =	swait.ge @!p0 [sflag:s12], $0x2800  }
0x30: {  	s13 =	simm.s32 @!p0 $0x2;
	p1 =	sne.s32 s3, s6;
	[sflag:s12] =	ssyncset.done @!p0 $0x0  }
.Ltmp1:
0x31: {  	s11 =	sadd.s32 @!p0 s2, s11;
	[sflag:s12] =	ssyncadd.s32 @!p0 $0xFFFFD800;
	(pc) =	sbr.rel @p1 .LBB2_1-.Ltmp1, $4  }
0x32: {  	[hbm4b:s11+s10] =	stream.linear.scatter @!p0 [tilespmem:s9], [sflag:$0x2], $0x2800, $0x38;
	[tilespmem:$0x2880] =	vst v63  }
0x33: {  	_ =	swait.ge @!p0 [sflag:s13], $0x2800  }
0x34: {  	[sflag:s13] =	ssyncset.done @!p0 $0x0  }
0x35: {  	[sflag:s13] =	ssyncadd.s32 @!p0 $0xFFFFD800  }
0x36: {  	_ =	sfence.sel $0x180000  }
0x37: {  	[bflag:$0x0] =	sbarrier.arrive $0xFFFF  }
0x38: {  	p0 =	sne.s32 s4, $0x0;
	_ =	strace $0x90000047  }
0x39: {  	s0 =	sadd.s32 @!p0 $0x100000, s0;
	[bflag:$0x2] =	sbarrier.arrive $0xFFFF  }
0x3a: {  	[sflag:s0] =	ssyncadd.tile.s32 @!p0 $0x1;
	_ =	shalt  }
.Lfunc_end2:
_tile_overlayer_lowered:
.L_overlay_start_2:
0x3b: {  	(tag) =	ssettag $0x2  }
0x3c: {  	s0 =	rddreg [dreg:$0x0];
	s2 =	stileid.u32  }
0x3d: {  	s1 =	rddreg [dreg:$0x1];
	p0 =	sne.s32 s2, $0x0  }
0x3e: {  	s3 =	rddreg [dreg:$0x2];
	[bflag:$0x3] =	sbarrier.arrive $0xFFFF;
	s2 =	simm.s32 @!p0 $0x1C02  }
0x3f: {  	[timem:s3], [sflag:s2] =	dma.local @!p0 [hbm:s0], s1  }
0x40: {  	s0 =	simm.s32 @!p0 $0x2  }
0x41: {  	_ =	swait.ge @!p0 [sflag:s0], s1  }
0x42: {  	s1 =	ssub.s32 @!p0 $0x0, s1;
	[sflag:s0] =	ssyncset.done @!p0 $0x0  }
0x43: {  	[sflag:s0] =	ssyncadd.s32 @!p0 s1  }
0x44: {  	[bflag:$0x3] =	sbarrier.arrive $0xFFFF  }
0x45: {  	_ =	shalt  }

// kernel: sparse-core-data-format-call.cloned.1.call-start
scs
called_computation_lowered:
.L_overlay_start_0:
0x0: {  	s2 =	sld [smem:$0x3FD9]  }
0x1: {  	s3 =	sld [smem:$0x3FFE];
	_ =	sdelay $0x1  }
0x2: {  	s1 =	srdreg.scid  }
0x3: {  	s0 =	sand.u32 $0x1, s1  }
0x4: {  	s15 =	sshll.u32 s0, $0xA;
	s2 =	sadd.s32 s3, s2  }
0x5: {  	s2 =	sadd.s32 s2, s15  }
0x6: {  	[smem:$0x3FC3] =	sst s2  }
0x7: {  	_ = 	snop  }
0x8: {  	s2 =	sld [smem:$0x3FD0];
	_ =	sdelay $0x2  }
0x9: {  	s16 =	simm.s32 $0xA;
	s4 =	simm.s32 $0x10  }
0xa: {  	[smem:s4], [sflag:s16] =	dma.local [hbm:s2], $0x1  }
0xb: {  	_ =	swait.eq [sflag:s16], $0x1  }
0xc: {  	[sflag:s16] =	ssyncset.done $0x0  }
0xd: {  	[sflag:s16] =	ssyncadd.s32 $0xFFFFFFFF  }
0xe: {  	s17 =	sld [smem:$0x10];
	(tm) =	ssettm $0x1  }
0xf: {  	s18 =	sld [smem:$0x3FFB];
	_ =	sdelay $0x3  }
0x10: {  	_ =	strace s18  }
0x11: {  	s3 =	sld [smem:$0x3FFC];
	_ =	sdelay $0x3  }
0x12: {  	_ =	strace s3  }
0x13: {  	s3 =	sld [smem:$0x3FFD];
	_ =	sdelay $0x3  }
0x14: {  	_ =	strace s3  }
0x15: {  	_ =	strace $0x8FFFFFFF  }
0x16: {  	s19 =	sld [smem:$0x3FDB];
	_ =	sdelay $0x1  }
0x17: {  	s20 =	simm.s32 $_scs_section_size  }
0x18: {  	s5 =	simm.s32 $_size__tile_overlayer_lowered;
	s6 =	simm.s32 $_tile_overlayer_lowered  }
0x19: {  	s23 =	simm.s32 $0x1BFF;
	s22 =	sshll.u32 s6, $0x1;
	s3 =	sadd.s32 s20, s19  }
0x1a: {  	s7 =	simm.s32 $0x0;
	s21 =	sshll.u32 s5, $0x1;
	s5 =	sadd.s32 s22, s3  }
0x1b: {  	[timem:s7], [sflag:s23] =	dma.local [hbm:s5], s21  }
0x1c: {  	_ =	swait.ge [sflag:s23], s21  }
0x1d: {  	s4 =	ssub.s32 $0x0, s21;
	[sflag:s23] =	ssyncset.done $0x0  }
0x1e: {  	[sflag:s23] =	ssyncadd.s32 s4;
	_ =	sdelay $0x1  }
0x1f: {  	s24 =	simm.s32 $0x1B8B  }
0x20: {  	_ =	swait.ge [sflag:s24], $0x1  }
0x21: {  	[sflag:s24] =	ssyncset.done $0x0  }
0x22: {  	s26 =	simm.s32 $0x1B8E;
	s25 =	sld [smem:$0x3FFE];
	[sflag:s24] =	ssyncadd.s32 $0xFFFFFFFF  }
0x23: {  	s27 =	simm.s32 $execute0_lowered;
	[smem:$0x3FD2] =	sst s26  }
0x24: {  	s5 =	sshll.u32 s27, $0x1;
	_ =	strace $0x80000049;
	[dreg:$0x1] =	wrdreg $0xFFFFFFFF  }
0x25: {  	s28 =	simm.s32 $_size_execute0_lowered;
	s3 =	sadd.s32 s3, s5;
	[dreg:$0x0] =	wrdreg $0x0  }
0x26: {  	s5 =	sshll.u32 s28, $0x1;
	[dreg:$0x2] =	wrdreg s3  }
0x27: {  	[dreg:$0x3] =	wrdreg s5  }
0x28: {  	[dreg:$0x4] =	wrdreg $0xC0  }
0x29: {  	_ =	task [dreg:s7], $0x5FFFF  }
0x2a: {  	[dreg:$0x1] =	wrdreg $0xFFFFFFFF  }
0x2b: {  	[dreg:$0x0] =	wrdreg $0x60  }
0x2c: {  	[dreg:$0x2] =	wrdreg s25  }
0x2d: {  	[dreg:$0x3] =	wrdreg s17  }
0x2e: {  	[dreg:$0x4] =	wrdreg $0x9  }
0x2f: {  	_ =	task.clear_ibuf [dreg:s7], $0x5FFFF;
	_ =	strace $0x90000049  }
0x30: {  	s29 =	simm.s32 $0x9;
	_ =	strace $0x8000004B  }
0x31: {  	_ =	swait.ge [sflag:s29], $0x1  }
0x32: {  	[sflag:s29] =	ssyncadd.s32 $0xFFFFFFFF  }
0x33: {  	_ =	strace $0x9000004B  }
0x34: {  	_ =	sfence  }
0x35: {  	s30 =	sld [smem:$0x0];
	_ =	sdelay $0x2  }
0x36: {  	s31 =	sshll.u32 s1, $0xD;
	s1 =	sshrl.u32 s1, $0x2  }
0x37: {  	s3 =	sand.u32 $0x4000, s31;
	s1 =	sadd.s32 s1, s30  }
0x38: {  	s0 =	sor.u32 s3, s0;
	s1 =	sshll.u32 s1, $0x11  }
0x39: {  	s0 =	sor.u32 s1, s0  }
0x3a: {  	s0 =	sadd.s32 $0x8F2B, s0  }
0x3b: {  	[sflag:s0] =	ssyncadd.remote.s32 $0x1  }
0x3c: {  	_ =	sfence.sel $0xFFFF  }
0x3d: {  	[dreg:$0x0] =	wrdreg $0xFFFFFFFF;
	(pc) =	sbr.abs _section_cstart, $3  }
0x3e: {  	[dreg:$0x1] =	wrdreg $0xFFFFFFFF  }
0x3f: {  	_ =	task.clear_ibuf [dreg:s7], $0x2FFFF;
	_ =	strace $0x9FFFFFFF  }
0x40: {  	(tm) =	ssettm $0x7FFFFFFF  }
0x41: {  	_ =	shalt  }
tec
execute0_lowered:
.L_overlay_start_1:
0x0: {  	(tag) =	ssettag $0x1  }
0x1: {  	s4 =	rddreg [dreg:$0x0]  }
0x2: {  	s0 =	srdreg.scid;
	s2 =	rddreg [dreg:$0x1]  }
0x3: {  	s1 =	stileid.u32;
	s5 =	simm.s32 $0x1;
	s0 =	sshll.u32 s0, $0x4  }
0x4: {  	s7 =	simm.s32 $0x2;
	s12 =	simm.s32 $0x0;
	s3 =	sand.u32 $0x10, s0  }
.Ltmp0:
0x5: {  	s8 =	simm.s32 $0x3D0C00;
	s3 =	sor.u32 s1, s3;
	(pc) =	sbr.rel .LBB1_1-.Ltmp0, $4  }
0x6: {  	s10 =	simm.s32 $0x0;
	s11 =	simm.s32 $0x0;
	s3 =	sshll.u32 s3, $0x7  }
0x7: {  	s0 =	rddreg [dreg:$0x2];
	_ =	strace $0x8000004A;
	s6 =	ssub.s32 $0x7A100, s3  }
0x8: {  	s4 =	sadd.s32 $0x1200, s4;
	[sflag:s5] =	ssyncpa.u1 $0x0;
	s6 =	sshrl.u32 s6, $0xC  }
0x9: {  	[sflag:s7] =	ssyncpa.u1 $0x0;
	s9 =	smov.u32 s3;
	s7 =	sadd.s32 $0x2, s6  }
.LBB1_5:
0xa: {  	[tilespmem:s20+$0x0 ss:$0x81] =	vst.msk $0xffff, v1  }
0xb: {  	[tilespmem:s21+$0x0 ss:$0x81] =	vst.msk $0xffff, v2  }
0xc: {  	[tilespmem:s19+$0x0 ss:$0x81] =	vst.msk $0xffff, v3  }
.LBB1_6:
0xd: {  	s15 =	sshll.u32 s10, $0x3  }
0xe: {  	s15 =	sand.u32 $0xFFFFFC00, s15  }
0xf: {  	s16 =	sshrl.u32 s15, $0x7  }
0x10: {  	s16 =	smulhi.u32 $0x10C6249, s16;
	_ =	sdelay $0x1  }
0x11: {  	s16 =	sshrl.u32 s16, $0x4  }
0x12: {  	s17 =	smul.u32 $0xCCD, s16  }
0x13: {  	p0 =	sgt.s32 s10, $0x7A100;
	s20 =	smov.u32 s10  }
0x14: {  	s20 =	simm.s32 @!p0 $0x7A100;
	s17 =	sshrl.u32 s17, $0x12  }
0x15: {  	s18 =	sand.u32 $0x7F, s10;
	s13 =	sadd.s32 s13, s20;
	s17 =	smul.u32 $0x50, s17  }
0x16: {  	s15 =	sor.u32 s18, s15;
	s30 =	sadd.s32 $0xFFF85F00, s13;
	s19 =	smul.u32 $0x7A180, s16  }
0x17: {  	s13 =	ssub.s32 $0x7A180, s13;
	p0 =	sgt.s32 s30, $0x7F;
	s16 =	ssub.s32 s16, s17  }
0x18: {  	s13 =	smul.u32 $0x140, s13;
	s15 =	ssub.s32 s15, s19;
	s16 =	sand.u32 $0xFFFF, s16  }
0x19: {  	s31 =	sshrl.u32 s15, $0x3;
	s15 =	sand.u32 $0x7, s15;
	s16 =	smul.u32 $0xF430, s16  }
0x1a: {  	s13 =	sshrl.u32 s13, $0x2;
	s15 =	sshll.u32 s15, $0x12;
	s17 =	sadd.s32 s2, s31  }
0x1b: {  	s13 =	simm.s32 @p0 $0x0;
	s15 =	sor.u32 $0x400, s15;
	s16 =	sadd.s32 s16, s17  }
0x1c: {  	[hbm4b:s16+s15] =	stream.strided.scatter [tilespmem:s14], [sflag:$0x2], s13, s8, s15, $0x20;
	[tilespmem:$0x10100] =	vst v63  }
.LBB1_7:
0x1d: {  	p0 =	slt.u32 s11, $0x2  }
0x1e: {  	p1 =	sgt.s32 @!p0 s12, $0x7A100  }
0x1f: {  	s13 =	smov.u32 s12;
	s14 =	sshra.s32 @!p0 s12, $0x1F;
	p1 =	por !p1, p0  }
0x20: {  	s12 =	sand.u32 @!p0 s14, s12;
	s13 =	simm.s32 @p1 $0x7A100  }
0x21: {  	s12 =	ssub.s32 @!p0 s13, s12  }
0x22: {  	s13 =	ssub.s32 @!p0 $0x7A180, s12  }
0x23: {  	s12 =	sadd.s32 @!p0 $0xFFF85F00, s12;
	s13 =	smul.u32 @!p0 $0x140, s13  }
0x24: {  	p1 =	sgt.s32 @!p0 s12, $0x7F  }
0x25: {  	s14 =	sadd.s32 $0x1000, s9;
	p1 =	por !p1, p0;
	s12 =	sshrl.u32 @!p0 s13, $0x2  }
0x26: {  	s12 =	simm.s32 @!p1 $0x0;
	p1 =	sgt.s32 s14, $0x7A11F  }
0x27: {  	s14 =	smov.u32 @p1 s3;
	p1 =	sne.s32 s11, s7  }
.Ltmp1:
0x28: {  	_ = 	snop;
	(pc) =	sbr.rel @!p1 .LBB1_8-.Ltmp1, $4  }
0x29: {  	s13 =	simm.s32 @!p0 $0x2  }
0x2a: {  	_ =	swait.ge @!p0 [sflag:s13], s12;
	s15 =	ssub.s32 @!p0 $0x0, s12  }
0x2b: {  	s12 =	smov.u32 s10;
	s11 =	sadd.s32 $0x1, s11;
	[sflag:s13] =	ssyncset.done @!p0 $0x0  }
0x2c: {  	s10 =	smov.u32 s9;
	s9 =	smov.u32 s14;
	[sflag:s13] =	ssyncadd.s32 @!p0 s15  }
.LBB1_1:
0x2d: {  	p0 =	sgt.u32 s11, s6  }
0x2e: {  	s13 =	sand.u32 @!p0 $0x1FFFFFF, s9  }
0x2f: {  	p1 =	sgt.s32 @!p0 s9, $0x7A0A0;
	s14 =	smulhi.u32 @!p0 $0x218DEF5, s13  }
0x30: {  	s15 =	smov.u32 s9;
	s16 =	sshra.s32 @!p0 s9, $0x1F;
	p1 =	por !p1, p0  }
0x31: {  	s16 =	sand.u32 @!p0 s16, s9;
	s15 =	simm.s32 @p1 $0x7A0A0;
	s14 =	sshrl.u32 @!p0 s14, $0xC  }
0x32: {  	s15 =	ssub.s32 @!p0 s15, s16;
	s14 =	smul.u32 @!p0 $0x7A120, s14  }
0x33: {  	s16 =	sxor.u32 @!p0 $0xFFFFFFFF, s11;
	s15 =	sadd.s32 @!p0 $0xFFF85F60, s15  }
0x34: {  	s16 =	sshll.u32 @!p0 s16, $0xE;
	s13 =	ssub.s32 @!p0 s13, s14;
	s14 =	sshll.u32 @!p0 s15, $0x9  }
0x35: {  	s16 =	sand.u32 @!p0 $0x4000, s16;
	p1 =	sgt.s32 @!p0 s15, $0x7F;
	s14 =	ssub.s32 @!p0 $0x10000, s14  }
0x36: {  	p1 =	por !p1, p0;
	s13 =	sshll.u32 @!p0 s13, $0x4;
	s14 =	sshrl.u32 @!p0 s14, $0x2  }
0x37: {  	s15 =	simm.s32 @!p0 $0x0;
	s13 =	sadd.s32 @!p0 s4, s13;
	s14 =	simm.s32 @!p1 $0x0  }
0x38: {  	[tilespmem:s16], [sflag:$0x1] =	stream.linear.gather @!p0 [hbm4b:s13+s15], s14, $0x38;
	[tilespmem:$0x10100] =	vst v63  }
0x39: {  	p0 =	seq.s32 s11, $0x0  }
0x3a: {  	p1 =	sge.u32 @!p0 s11, s7  }
0x3b: {  	p0 =	por p0, p1  }
.Ltmp2:
0x3c: {  	_ = 	snop;
	(pc) =	sbr.rel @p0 .LBB1_7-.Ltmp2, $1  }
0x3d: {  	_ =	sdelay $0x3  }
0x3e: {  	s13 =	ssub.s32 $0x0, s10  }
0x3f: {  	s14 =	sshra.s32 s10, $0x1F;
	p0 =	sgt.s32 s10, $0x7A0A0;
	s15 =	smov.u32 s10  }
0x40: {  	s13 =	sand.u32 s13, s14;
	s15 =	simm.s32 @!p0 $0x7A0A0  }
0x41: {  	s14 =	sadd.s32 s13, s15  }
0x42: {  	s17 =	sadd.s32 $0x80, s10;
	s14 =	sadd.s32 $0xFFF85F60, s14  }
0x43: {  	p1 =	slt.s32 s17, $0x7A120;
	s31 =	sshll.u32 s14, $0x9  }
0x44: {  	s17 =	simm.s32 @!p1 $0x7A120;
	s15 =	ssub.s32 $0x10000, s31  }
0x45: {  	p0 =	sgt.s32 s14, $0x7F;
	s14 =	sshrl.u32 s15, $0x2;
	s15 =	ssub.s32 s17, s10  }
0x46: {  	s14 =	simm.s32 @p0 $0x0;
	p0 =	slt.s32 s15, $0x1  }
.Ltmp3:
0x47: {  	_ = 	snop;
	(pc) =	sbr.rel @p0 .LBB1_6-.Ltmp3, $4  }
0x48: {  	s16 =	sand.u32 $0x1, s11  }
0x49: {  	s18 =	smul.u32 $0x4080, s16;
	_ =	swait.ge [sflag:s5], s14  }
0x4a: {  	s14 =	ssub.s32 $0x0, s14;
	[sflag:s5] =	ssyncset.done $0x0  }
0x4b: {  	[sflag:s5] =	ssyncadd.s32 s14;
	s14 =	sor.u32 $0x8000, s18  }
0x4c: {  	s17 =	sshll.u32 s16, $0xE  }
0x4d: {  	v0 =	vmov s17  }
0x4e: {  	s16 =	simm.s32 $0x0;
	s18 =	simm.s32 $0x0;
	p0 =	sne.s32 s15, $0x1  }
0x4f: {  	s20 =	simm.s32 $0x10;
	s22 =	simm.s32 $0x20;
	s18 =	sand.u32 $0x78, s18  }
0x50: {  	s20 =	sand.u32 $0x78, s20;
	s21 =	sxor.u32 $0x40, s18;
	s18 =	smul.u32 $0x204, s18  }
0x51: {  	s23 =	simm.s32 $0x30;
	s19 =	sand.u32 $0x3F80, s16;
	s20 =	smul.u32 $0x204, s20  }
0x52: {  	s17 =	simm.s32 $0x1;
	s22 =	sand.u32 $0x78, s22;
	s21 =	smul.u32 $0x204, s21;
	v3 =	vld.idx.msk [tilespmem:v0+s19+$0x40 ss:$0x1], $0xffff  }
0x53: {  	s23 =	sand.u32 $0x78, s23;
	s24 =	sand.u32 $0x7F, s16;
	s22 =	smul.u32 $0x204, s22  }
0x54: {  	s23 =	smul.u32 $0x204, s23;
	s18 =	sshrl.u32 s18, $0x2;
	s21 =	sshrl.u32 s21, $0x2;
	v4 =	vld.idx.msk [tilespmem:v0+s19+$0x0 ss:$0x1], $0xffff  }
.Ltmp4:
0x55: {  	s20 =	sshrl.u32 s20, $0x2;
	s21 =	sadd.s32 s21, s14;
	v1 =	vld.idx.msk [tilespmem:v0+s19+$0x10 ss:$0x1], $0xffff;
	(pc) =	sbr.rel @!p0 .LBB1_5-.Ltmp4, $4  }
0x56: {  	s22 =	sshrl.u32 s22, $0x2;
	s23 =	sshrl.u32 s23, $0x2;
	v2 =	vld.idx.msk [tilespmem:v0+s19+$0x20 ss:$0x1], $0xffff;
	s21 =	sadd.s32 s24, s21  }
0x57: {  	s18 =	sadd.s32 s18, s14;
	s20 =	sadd.s32 s20, s14;
	s22 =	sadd.s32 s22, s14;
	[tilespmem:s21+$0x0 ss:$0x81] =	vst.msk $0xffff, v3;
	v3 =	vld.idx.msk [tilespmem:v0+s19+$0x30 ss:$0x1], $0xffff  }
0x58: {  	s23 =	sadd.s32 s23, s14;
	s18 =	sadd.s32 s24, s18;
	s20 =	sadd.s32 s24, s20  }
0x59: {  	[tilespmem:s18+$0x0 ss:$0x81] =	vst.msk $0xffff, v4;
	s21 =	sadd.s32 s24, s22;
	s19 =	sadd.s32 s24, s23;
	s18 =	simm.s32 $0x1808  }
.LBB1_4:
0x5a: {  	s22 =	sadd.s32 $0xFFFFE800, s18;
	s23 =	sadd.s32 $0xFFFFF000, s18  }
0x5b: {  	[tilespmem:s20+$0x0 ss:$0x81] =	vst.msk $0xffff, v1;
	s20 =	smov.u32 s17;
	s17 =	sadd.s32 $0x1, s17;
	s16 =	sadd.s32 $0x80, s16  }
0x5c: {  	s24 =	sadd.s32 $0xFFFFF800, s18;
	s22 =	sshrl.u32 s22, $0x7;
	p0 =	sne.s32 s15, s17;
	[tilespmem:s21+$0x0 ss:$0x81] =	vst.msk $0xffff, v2  }
0x5d: {  	s21 =	sand.u32 $0x3F80, s16;
	s22 =	sand.u32 $0x78, s22;
	[tilespmem:s19+$0x0 ss:$0x81] =	vst.msk $0xffff, v3;
	s19 =	sshrl.u32 s23, $0x7  }
0x5e: {  	s23 =	sshrl.u32 s24, $0x7;
	v4 =	vld.idx.msk [tilespmem:v0+s21+$0x40 ss:$0x1], $0xffff;
	s24 =	sxor.u32 $0x40, s22;
	s22 =	smul.u32 $0x204, s22  }
0x5f: {  	s25 =	sshrl.u32 s18, $0x7;
	s19 =	sand.u32 $0x78, s19;
	v5 =	vld.idx.msk [tilespmem:v0+s21+$0x0 ss:$0x1], $0xffff;
	s24 =	smul.u32 $0x204, s24  }
0x60: {  	s25 =	sand.u32 $0x78, s25;
	s23 =	sand.u32 $0x78, s23;
	s19 =	smul.u32 $0x204, s19;
	v1 =	vld.idx.msk [tilespmem:v0+s21+$0x10 ss:$0x1], $0xffff  }
0x61: {  	s26 =	sand.u32 $0x7F, s20;
	s20 =	smul.u32 $0x204, s23;
	v2 =	vld.idx.msk [tilespmem:v0+s21+$0x20 ss:$0x1], $0xffff;
	s24 =	sshrl.u32 s24, $0x2  }
0x62: {  	s23 =	smul.u32 $0x204, s25;
	v3 =	vld.idx.msk [tilespmem:v0+s21+$0x30 ss:$0x1], $0xffff;
	s21 =	sadd.s32 s24, s14  }
.Ltmp5:
0x63: {  	s22 =	sshrl.u32 s22, $0x2;
	s21 =	sadd.s32 s26, s21;
	(pc) =	sbr.rel @p0 .LBB1_4-.Ltmp5, $4  }
0x64: {  	s22 =	sadd.s32 s22, s14;
	s19 =	sshrl.u32 s19, $0x2;
	s20 =	sshrl.u32 s20, $0x2;
	[tilespmem:s21+$0x0 ss:$0x81] =	vst.msk $0xffff, v4  }
0x65: {  	s23 =	sshrl.u32 s23, $0x2;
	s19 =	sadd.s32 s19, s14;
	s21 =	sadd.s32 s20, s14  }
0x66: {  	s22 =	sadd.s32 s26, s22;
	s20 =	sadd.s32 s26, s19;
	s19 =	sadd.s32 s23, s14  }
0x67: {  	s18 =	sadd.s32 $0x8, s18;
	s21 =	sadd.s32 s26, s21;
	s19 =	sadd.s32 s26, s19;
	[tilespmem:s22+$0x0 ss:$0x81] =	vst.msk $0xffff, v5  }
.Ltmp6:
0x68: {  	_ = 	snop;
	(pc) =	sbr.rel .LBB1_5-.Ltmp6, $1  }
0x69: {  	_ =	sdelay $0x3  }
.LBB1_8:
0x6a: {  	_ =	sfence.sel $0x180000  }
0x6b: {  	s2 =	simm.s32 $0x1;
	[bflag:$0x0] =	sbarrier.arrive $0xFFFF  }
0x6c: {  	s31 =	simm.s32 $0x2;
	[sflag:s2] =	ssyncpa.u1 $0x1  }
0x6d: {  	[sflag:s31] =	ssyncpa.u1 $0x1  }
0x6e: {  	p0 =	sne.s32 s1, $0x0;
	_ =	strace $0x9000004A  }
0x6f: {  	s0 =	sadd.s32 @!p0 $0x100000, s0;
	[bflag:$0x2] =	sbarrier.arrive $0xFFFF  }
0x70: {  	[sflag:s0] =	ssyncadd.tile.s32 @!p0 $0x1;
	_ =	shalt  }
.Lfunc_end1:
_tile_overlayer_lowered:
.L_overlay_start_2:
0x71: {  	(tag) =	ssettag $0x2  }
0x72: {  	s0 =	rddreg [dreg:$0x0];
	s2 =	stileid.u32  }
0x73: {  	s1 =	rddreg [dreg:$0x1];
	p0 =	sne.s32 s2, $0x0  }
0x74: {  	s3 =	rddreg [dreg:$0x2];
	[bflag:$0x3] =	sbarrier.arrive $0xFFFF;
	s2 =	simm.s32 @!p0 $0x1C01  }
0x75: {  	[timem:s3], [sflag:s2] =	dma.local @!p0 [hbm:s0], s1  }
0x76: {  	s0 =	simm.s32 @!p0 $0x1  }
0x77: {  	_ =	swait.ge @!p0 [sflag:s0], s1  }
0x78: {  	s1 =	ssub.s32 @!p0 $0x0, s1;
	[sflag:s0] =	ssyncset.done @!p0 $0x0  }
0x79: {  	[sflag:s0] =	ssyncadd.s32 @!p0 s1  }
0x7a: {  	[bflag:$0x3] =	sbarrier.arrive $0xFFFF  }
0x7b: {  	_ =	shalt  }

</sc_bundles>
